<compile_context>
chip_gen: v7x
topology: tpu7x:2x2x1
jax: 0.10.2.dev20260603
libtpu: 0.0.44.dev20260713+nightly
codegen_flags: <defaults>
</compile_context>

<pallas_src>
import jax
import jax.numpy as jnp
from jax import lax
from jax.experimental import pallas as pl
from jax.experimental.pallas import tpu as pltpu
from jax.experimental.pallas import tpu_sc as plsc

_N = 10000
_E = 320000
_D = 128
_T = 128
_L = 3

_NCORE = 2
_NSUB = 16
_CHW = 128
_NCH = 80
_NBUF = 2
_EPT = _CHW * _NCH
_EPAD = _EPT * _NCORE * _NSUB
_ACCR = 10240
_ZROWS = _ACCR // _NSUB



_HCH = _NCH // 2


def _segsum_body(h_hbm, src_hbm, dst_hbm, zeros_hbm, out_hbm,
                 src_v, dst_v, bufs, gsems, acc):
    c = lax.axis_index("c")
    s = lax.axis_index("s")

    def _gather(j, b):
        return pltpu.make_async_copy(h_hbm.at[src_v.at[j]], bufs[b],
                                     gsems[b])

    pltpu.sync_copy(zeros_hbm, acc.at[pl.ds(s * _ZROWS, _ZROWS)])
    plsc.subcore_barrier()

    for blk in range(_NCH // _HCH):
        pltpu.sync_copy(src_hbm.at[c, s, pl.ds(blk * _HCH, _HCH)], src_v)
        pltpu.sync_copy(dst_hbm.at[c, s, pl.ds(blk * _HCH, _HCH)], dst_v)
        _gather(0, 0).start()

        @pl.loop(0, _HCH, step=2)
        def _(j):
            _gather(j + 1, 1).start()
            _gather(j, 0).wait()
            pltpu.sync_copy(bufs[0], acc.at[dst_v.at[j]], add=True)

            @pl.when(j + 2 < _HCH)
            def _():
                _gather(j + 2, 0).start()

            _gather(j + 1, 1).wait()
            pltpu.sync_copy(bufs[1], acc.at[dst_v.at[j + 1]], add=True)

    plsc.subcore_barrier()
    pltpu.sync_copy(acc.at[pl.ds(s * _ZROWS, _ZROWS)],
                    out_hbm.at[c].at[pl.ds(s * _ZROWS, _ZROWS)])


@jax.jit
def _segment_partials(h, src, dst, zeros):
    mesh = plsc.VectorSubcoreMesh(core_axis_name="c", subcore_axis_name="s")
    k = pl.kernel(
        _segsum_body,
        out_type=jax.ShapeDtypeStruct((_NCORE, _ACCR, _D), jnp.float32),
        mesh=mesh,
        scratch_types=[
            pltpu.VMEM((_HCH, _CHW), jnp.int32),
            pltpu.VMEM((_HCH, _CHW), jnp.int32),
            [pltpu.VMEM((_CHW, _D), jnp.float32) for _ in range(_NBUF)],
            [pltpu.SemaphoreType.DMA for _ in range(_NBUF)],
            pltpu.VMEM_SHARED((_ACCR, _D), jnp.float32),
        ],
    )
    return k(h, src, dst, zeros)



def _dot(a, b):
    return jnp.dot(a, b, preferred_element_type=jnp.float32)


def _bn_mlp(hin, waT, ba, g1, b1, wbT, bb, g2, b2):
    y = _dot(hin, waT) + ba
    m = jnp.mean(y, axis=0, keepdims=True)
    v = jnp.mean((y - m) ** 2, axis=0, keepdims=True)
    y = jnp.maximum(g1 * (y - m) / jnp.sqrt(v + 1e-5) + b1, 0.0)
    y = _dot(y, wbT) + bb
    m = jnp.mean(y, axis=0, keepdims=True)
    v = jnp.mean((y - m) ** 2, axis=0, keepdims=True)
    return jnp.maximum(g2 * (y - m) / jnp.sqrt(v + 1e-5) + b2, 0.0)


def _stage0_body(x, waT, ba, g1, b1, wbT, bb, g2, b2, linT, linb,
                 h_out, out):
    h = _bn_mlp(x[...], waT[...], ba[...], g1[...], b1[...],
                wbT[...], bb[...], g2[...], b2[...])
    h_out[...] = h
    out[...] = _dot(h, linT[...]) + linb[...]


def _conv_body(scale, h, agg, out_in, waT, ba, g1, b1, wbT, bb, g2, b2,
               linT, linb, h_out, out):
    hin = h[...] * scale[...] + agg[0, :_N, :] + agg[1, :_N, :]
    hh = _bn_mlp(hin, waT[...], ba[...], g1[...], b1[...],
                 wbT[...], bb[...], g2[...], b2[...])
    h_out[...] = hh
    out[...] = out_in[...] + _dot(hh, linT[...]) + linb[...]


_f32 = jnp.float32
_stage0 = pl.pallas_call(
    _stage0_body,
    out_shape=(jax.ShapeDtypeStruct((_N, _D), _f32),
               jax.ShapeDtypeStruct((_N, _T), _f32)),
)
_conv = pl.pallas_call(
    _conv_body,
    out_shape=(jax.ShapeDtypeStruct((_N, _D), _f32),
               jax.ShapeDtypeStruct((_N, _T), _f32)),
)


def kernel(x, edge_index, fh_Wa, fh_ba, fh_g1, fh_b1, fh_Wb, fh_bb, fh_g2,
           fh_b2, conv_Wa, conv_ba, conv_g1, conv_b1, conv_Wb, conv_bb,
           conv_g2, conv_b2, eps, lin_W, lin_b):
    r = lambda a: a.reshape(1, -1)

    pad = _EPAD - _E
    src = jnp.concatenate([edge_index[0], jnp.zeros((pad,), jnp.int32)])
    dst = jnp.concatenate([edge_index[1], jnp.full((pad,), _N, jnp.int32)])
    src = src.reshape(_NCORE, _NSUB, _NCH, _CHW)
    dst = dst.reshape(_NCORE, _NSUB, _NCH, _CHW)
    zeros = jnp.zeros((_ZROWS, _D), _f32)

    h, out = _stage0(x, fh_Wa.T, r(fh_ba), r(fh_g1), r(fh_b1),
                     fh_Wb.T, r(fh_bb), r(fh_g2), r(fh_b2),
                     lin_W[0].T, r(lin_b[0]))
    for l in range(_L):
        agg = _segment_partials(h, src, dst, zeros)
        scale = (1.0 + eps[l]) * jnp.ones((1, _D), _f32)
        h, out = _conv(scale, h, agg, out,
                       conv_Wa[l].T, r(conv_ba[l]), r(conv_g1[l]),
                       r(conv_b1[l]), conv_Wb[l].T, r(conv_bb[l]),
                       r(conv_g2[l]), r(conv_b2[l]),
                       lin_W[l + 1].T, r(lin_b[l + 1]))
    return out

# --- scband reference (transcript-rebuilt; emitter-appended) ---
"""Pipeline reference for scband-gin-22574348108106 (READ-ONLY COPY).

The authoritative reference and input builder live on the scoring server;
editing this copy changes nothing except your own understanding.
"""

import jax, jax.numpy as jnp
import numpy as np

N = 10000
E = 320000
D = 128
T = 128
L = 3

def _kaiming(key, shape):
    return jax.random.normal(key, shape, dtype=jnp.float32) * np.sqrt(2.0 / shape[-1])

def setup_inputs(seed: int = 0):
    key = jax.random.key(seed)
    ks = jax.random.split(key, 12)
    inp = {}
    inp["x"] = jax.random.normal(ks[0], (N, D), dtype=jnp.float32)
    inp["edge_index"] = jax.random.randint(ks[1], (2, E), 0, N, dtype=jnp.int32)
    inp["fh_Wa"] = _kaiming(ks[2], (D, D))
    inp["fh_ba"] = jnp.zeros((D,), jnp.float32)
    inp["fh_g1"] = jnp.ones((D,), jnp.float32)
    inp["fh_b1"] = jnp.zeros((D,), jnp.float32)
    inp["fh_Wb"] = _kaiming(ks[3], (D, D))
    inp["fh_bb"] = jnp.zeros((D,), jnp.float32)
    inp["fh_g2"] = jnp.ones((D,), jnp.float32)
    inp["fh_b2"] = jnp.zeros((D,), jnp.float32)
    inp["conv_Wa"] = _kaiming(ks[4], (L, D, D))
    inp["conv_ba"] = jnp.zeros((L, D), jnp.float32)
    inp["conv_g1"] = jnp.ones((L, D), jnp.float32)
    inp["conv_b1"] = jnp.zeros((L, D), jnp.float32)
    inp["conv_Wb"] = _kaiming(ks[5], (L, D, D))
    inp["conv_bb"] = jnp.zeros((L, D), jnp.float32)
    inp["conv_g2"] = jnp.ones((L, D), jnp.float32)
    inp["conv_b2"] = jnp.zeros((L, D), jnp.float32)
    inp["eps"] = jnp.zeros((L,), jnp.float32)
    inp["lin_W"] = _kaiming(ks[6], (L + 1, T, D))
    inp["lin_b"] = jnp.zeros((L + 1, T), jnp.float32)
    return inp

def _bn(h, g, b):
    m = jnp.mean(h, axis=0)
    v = jnp.mean((h - m) ** 2, axis=0)
    return g * (h - m) / jnp.sqrt(v + 1e-5) + b

def _mlp(h, Wa, ba, g1, b1, Wb, bb, g2, b2):
    h = jax.nn.relu(_bn(h @ Wa.T + ba, g1, b1))
    h = jax.nn.relu(_bn(h @ Wb.T + bb, g2, b2))
    return h

def reference(x, edge_index, fh_Wa, fh_ba, fh_g1, fh_b1, fh_Wb, fh_bb, fh_g2, fh_b2, conv_Wa, conv_ba, conv_g1, conv_b1, conv_Wb, conv_bb, conv_g2, conv_b2, eps, lin_W, lin_b):
    src = edge_index[0]
    dst = edge_index[1]
    h = _mlp(x, fh_Wa, fh_ba, fh_g1, fh_b1, fh_Wb, fh_bb, fh_g2, fh_b2)
    out = h @ lin_W[0].T + lin_b[0]
    for l in range(L):
        agg = jax.ops.segment_sum(h[src], dst, num_segments=N)
        h = _mlp((1.0 + eps[l]) * h + agg, conv_Wa[l], conv_ba[l], conv_g1[l], conv_b1[l], conv_Wb[l], conv_bb[l], conv_g2[l], conv_b2[l])
        out = out + h @ lin_W[l + 1].T + lin_b[l + 1]
    return out

if __name__ == "__main__":
    import jax
    _d = setup_inputs()
    print(jax.jit(kernel)(*tuple(_d.values())))

</pallas_src>

<mosaic_0001>
#map = affine_map<(d0, d1) -> (0, 0)>
#map1 = affine_map<(d0, d1) -> (0, 0, 0, 0)>
#map2 = affine_map<(d0, d1) -> (0, 0, 0)>
module attributes {stable_mosaic.version = 14 : i64} {
  func.func @_segsum_body(%arg0: i32, %arg1: i32, %arg2: memref<10000x128xf32, #tpu.memory_space<hbm>>, %arg3: memref<2x16x80x128xi32, #tpu.memory_space<hbm>>, %arg4: memref<2x16x80x128xi32, #tpu.memory_space<hbm>>, %arg5: memref<640x128xf32, #tpu.memory_space<hbm>>, %arg6: memref<2x10240x128xf32, #tpu.memory_space<hbm>>, %arg7: memref<40x128xi32, #tpu.memory_space<vmem>>, %arg8: memref<40x128xi32, #tpu.memory_space<vmem>>, %arg9: memref<128x128xf32, #tpu.memory_space<vmem>>, %arg10: memref<128x128xf32, #tpu.memory_space<vmem>>, %arg11: memref<!tpu.dma_semaphore, #tpu.memory_space<semaphore_mem>>, %arg12: memref<!tpu.dma_semaphore, #tpu.memory_space<semaphore_mem>>, %arg13: memref<10240x128xf32, #tpu.memory_space<vmem_shared>>) attributes {dimension_semantics = [#tpu.dimension_semantics<core_parallel>, #tpu.dimension_semantics<subcore_parallel>], iteration_bounds = array<i64: 2, 16>, scalar_prefetch = 0 : i64, scratch_operands = 7 : i64, tpu.core_type = #tpu.core_type<sc_vector_subcore>, window_params = [{transform_indices = #map}, {transform_indices = #map1}, {transform_indices = #map1}, {transform_indices = #map}, {transform_indices = #map2}]} {
    %mul3A = arith.constant 640 : i32
    %mul3A_0 = arith.muli %arg1, %mul3A : i32
    "tpu.region"() ({
      %run_scoped3A = tpu.sem_alloc : memref<!tpu.dma_semaphore, #tpu.memory_space<semaphore_mem>>
      %dma_start3A_28 = arith.constant 0 : i32
      %dma_start3A_29 = tpu.memref_slice %arg13[%mul3A_0, %dma_start3A_28] : memref<10240x128xf32, #tpu.memory_space<vmem_shared>> -> memref<640x128xf32, #tpu.memory_space<vmem_shared>>
      tpu.enqueue_dma source(%arg5 : memref<640x128xf32, #tpu.memory_space<hbm>>) target(%dma_start3A_29 : memref<640x128xf32, #tpu.memory_space<vmem_shared>>) target_semaphore(%run_scoped3A : memref<!tpu.dma_semaphore, #tpu.memory_space<semaphore_mem>>)
      %dma_wait3A = arith.constant 0 : i32
      %dma_wait3A_30 = tpu.memref_slice %arg13[%mul3A_0, %dma_wait3A] : memref<10240x128xf32, #tpu.memory_space<vmem_shared>> -> memref<640x128xf32, #tpu.memory_space<vmem_shared>>
      tpu.wait_dma2 semaphore(%run_scoped3A : memref<!tpu.dma_semaphore, #tpu.memory_space<semaphore_mem>>) src(%arg5 : memref<640x128xf32, #tpu.memory_space<hbm>>) dst(%dma_wait3A_30 : memref<640x128xf32, #tpu.memory_space<vmem_shared>>)
      tpu.yield
    }) : () -> ()
    %barrier3A = arith.constant 0 : index
    tpu.barrier barrier_id(%barrier3A)
    "tpu.region"() ({
      %run_scoped3A = tpu.sem_alloc : memref<!tpu.dma_semaphore, #tpu.memory_space<semaphore_mem>>
      %dma_start3A_28 = arith.constant 0 : i32
      %dma_start3A_29 = arith.constant 0 : i32
      %dma_start3A_30 = tpu.memref_slice %arg3[%arg0, %arg1, %dma_start3A_28, %dma_start3A_29] : memref<2x16x80x128xi32, #tpu.memory_space<hbm>> -> memref<1x1x40x128xi32, #tpu.memory_space<hbm>>
      %dma_start3A_31 = tpu.memref_squeeze %dma_start3A_30 : memref<1x1x40x128xi32, #tpu.memory_space<hbm>> -> memref<40x128xi32, #tpu.memory_space<hbm>>
      %dma_start3A_32 = arith.constant 0 : i32
      %dma_start3A_33 = arith.constant 0 : i32
      %dma_start3A_34 = tpu.memref_slice %arg3[%arg0, %arg1, %dma_start3A_32, %dma_start3A_33] : memref<2x16x80x128xi32, #tpu.memory_space<hbm>> -> memref<1x1x40x128xi32, #tpu.memory_space<hbm>>
      %dma_start3A_35 = tpu.memref_squeeze %dma_start3A_34 : memref<1x1x40x128xi32, #tpu.memory_space<hbm>> -> memref<40x128xi32, #tpu.memory_space<hbm>>
      tpu.enqueue_dma source(%dma_start3A_35 : memref<40x128xi32, #tpu.memory_space<hbm>>) target(%arg7 : memref<40x128xi32, #tpu.memory_space<vmem>>) target_semaphore(%run_scoped3A : memref<!tpu.dma_semaphore, #tpu.memory_space<semaphore_mem>>)
      %dma_wait3A = arith.constant 0 : i32
      %dma_wait3A_36 = arith.constant 0 : i32
      %dma_wait3A_37 = tpu.memref_slice %arg3[%arg0, %arg1, %dma_wait3A, %dma_wait3A_36] : memref<2x16x80x128xi32, #tpu.memory_space<hbm>> -> memref<1x1x40x128xi32, #tpu.memory_space<hbm>>
      %dma_wait3A_38 = tpu.memref_squeeze %dma_wait3A_37 : memref<1x1x40x128xi32, #tpu.memory_space<hbm>> -> memref<40x128xi32, #tpu.memory_space<hbm>>
      %dma_wait3A_39 = arith.constant 0 : i32
      %dma_wait3A_40 = arith.constant 0 : i32
      %dma_wait3A_41 = tpu.memref_slice %arg3[%arg0, %arg1, %dma_wait3A_39, %dma_wait3A_40] : memref<2x16x80x128xi32, #tpu.memory_space<hbm>> -> memref<1x1x40x128xi32, #tpu.memory_space<hbm>>
      %dma_wait3A_42 = tpu.memref_squeeze %dma_wait3A_41 : memref<1x1x40x128xi32, #tpu.memory_space<hbm>> -> memref<40x128xi32, #tpu.memory_space<hbm>>
      tpu.wait_dma2 semaphore(%run_scoped3A : memref<!tpu.dma_semaphore, #tpu.memory_space<semaphore_mem>>) src(%dma_wait3A_42 : memref<40x128xi32, #tpu.memory_space<hbm>>) dst(%arg7 : memref<40x128xi32, #tpu.memory_space<vmem>>)
      tpu.yield
    }) : () -> ()
    "tpu.region"() ({
      %run_scoped3A = tpu.sem_alloc : memref<!tpu.dma_semaphore, #tpu.memory_space<semaphore_mem>>
      %dma_start3A_28 = arith.constant 0 : i32
      %dma_start3A_29 = arith.constant 0 : i32
      %dma_start3A_30 = tpu.memref_slice %arg4[%arg0, %arg1, %dma_start3A_28, %dma_start3A_29] : memref<2x16x80x128xi32, #tpu.memory_space<hbm>> -> memref<1x1x40x128xi32, #tpu.memory_space<hbm>>
      %dma_start3A_31 = tpu.memref_squeeze %dma_start3A_30 : memref<1x1x40x128xi32, #tpu.memory_space<hbm>> -> memref<40x128xi32, #tpu.memory_space<hbm>>
      %dma_start3A_32 = arith.constant 0 : i32
      %dma_start3A_33 = arith.constant 0 : i32
      %dma_start3A_34 = tpu.memref_slice %arg4[%arg0, %arg1, %dma_start3A_32, %dma_start3A_33] : memref<2x16x80x128xi32, #tpu.memory_space<hbm>> -> memref<1x1x40x128xi32, #tpu.memory_space<hbm>>
      %dma_start3A_35 = tpu.memref_squeeze %dma_start3A_34 : memref<1x1x40x128xi32, #tpu.memory_space<hbm>> -> memref<40x128xi32, #tpu.memory_space<hbm>>
      tpu.enqueue_dma source(%dma_start3A_35 : memref<40x128xi32, #tpu.memory_space<hbm>>) target(%arg8 : memref<40x128xi32, #tpu.memory_space<vmem>>) target_semaphore(%run_scoped3A : memref<!tpu.dma_semaphore, #tpu.memory_space<semaphore_mem>>)
      %dma_wait3A = arith.constant 0 : i32
      %dma_wait3A_36 = arith.constant 0 : i32
      %dma_wait3A_37 = tpu.memref_slice %arg4[%arg0, %arg1, %dma_wait3A, %dma_wait3A_36] : memref<2x16x80x128xi32, #tpu.memory_space<hbm>> -> memref<1x1x40x128xi32, #tpu.memory_space<hbm>>
      %dma_wait3A_38 = tpu.memref_squeeze %dma_wait3A_37 : memref<1x1x40x128xi32, #tpu.memory_space<hbm>> -> memref<40x128xi32, #tpu.memory_space<hbm>>
      %dma_wait3A_39 = arith.constant 0 : i32
      %dma_wait3A_40 = arith.constant 0 : i32
      %dma_wait3A_41 = tpu.memref_slice %arg4[%arg0, %arg1, %dma_wait3A_39, %dma_wait3A_40] : memref<2x16x80x128xi32, #tpu.memory_space<hbm>> -> memref<1x1x40x128xi32, #tpu.memory_space<hbm>>
      %dma_wait3A_42 = tpu.memref_squeeze %dma_wait3A_41 : memref<1x1x40x128xi32, #tpu.memory_space<hbm>> -> memref<40x128xi32, #tpu.memory_space<hbm>>
      tpu.wait_dma2 semaphore(%run_scoped3A : memref<!tpu.dma_semaphore, #tpu.memory_space<semaphore_mem>>) src(%dma_wait3A_42 : memref<40x128xi32, #tpu.memory_space<hbm>>) dst(%arg8 : memref<40x128xi32, #tpu.memory_space<vmem>>)
      tpu.yield
    }) : () -> ()
    %dma_start3A = arith.constant 0 : i32
    %dma_start3A_1 = arith.constant 0 : i32
    %dma_start3A_2 = tpu.memref_slice %arg7[%dma_start3A, %dma_start3A_1] : memref<40x128xi32, #tpu.memory_space<vmem>> -> memref<1x128xi32, #tpu.memory_space<vmem>>
    %dma_start3A_3 = tpu.memref_squeeze %dma_start3A_2 : memref<1x128xi32, #tpu.memory_space<vmem>> -> memref<128xi32, #tpu.memory_space<vmem>>
    %dma_start3A_4 = arith.constant 0 : i32
    %dma_start3A_5 = arith.constant 0 : i32
    %dma_start3A_6 = tpu.memref_slice %arg2[%dma_start3A_4, %dma_start3A_5] : memref<10000x128xf32, #tpu.memory_space<hbm>> -> memref<10000x128xf32, #tpu.memory_space<hbm>>
    tpu.enqueue_indirect_dma source(%dma_start3A_6 : memref<10000x128xf32, #tpu.memory_space<hbm>>) target(%arg9 : memref<128x128xf32, #tpu.memory_space<vmem>>) offsets(%dma_start3A_3 : memref<128xi32, #tpu.memory_space<vmem>>) semaphore(%arg11 : memref<!tpu.dma_semaphore, #tpu.memory_space<semaphore_mem>>)
    %scan3A = arith.constant 0 : i32
    %scan3A_7 = arith.constant 20 : i32
    %scan3A_8 = arith.addi %scan3A, %scan3A_7 : i32
    %scan3A_9 = arith.constant 1 : i32
    scf.for %scan3A_28 = %scan3A to %scan3A_8 step %scan3A_9  : i32 {
      %mul3A_29 = arith.constant 2 : i32
      %mul3A_30 = arith.muli %scan3A_28, %mul3A_29 : i32
      %add3A = arith.constant 0 : i32
      %add3A_31 = arith.addi %add3A, %mul3A_30 : i32
      %add3A_32 = arith.constant 1 : i32
      %add3A_33 = arith.addi %add3A_31, %add3A_32 : i32
      %dma_start3A_34 = arith.constant 0 : i32
      %dma_start3A_35 = tpu.memref_slice %arg7[%add3A_33, %dma_start3A_34] : memref<40x128xi32, #tpu.memory_space<vmem>> -> memref<1x128xi32, #tpu.memory_space<vmem>>
      %dma_start3A_36 = tpu.memref_squeeze %dma_start3A_35 : memref<1x128xi32, #tpu.memory_space<vmem>> -> memref<128xi32, #tpu.memory_space<vmem>>
      %dma_start3A_37 = arith.constant 0 : i32
      %dma_start3A_38 = arith.constant 0 : i32
      %dma_start3A_39 = tpu.memref_slice %arg2[%dma_start3A_37, %dma_start3A_38] : memref<10000x128xf32, #tpu.memory_space<hbm>> -> memref<10000x128xf32, #tpu.memory_space<hbm>>
      tpu.enqueue_indirect_dma source(%dma_start3A_39 : memref<10000x128xf32, #tpu.memory_space<hbm>>) target(%arg10 : memref<128x128xf32, #tpu.memory_space<vmem>>) offsets(%dma_start3A_36 : memref<128xi32, #tpu.memory_space<vmem>>) semaphore(%arg12 : memref<!tpu.dma_semaphore, #tpu.memory_space<semaphore_mem>>)
      %dma_wait3A = arith.constant 0 : i32
      %dma_wait3A_40 = tpu.memref_slice %arg7[%add3A_31, %dma_wait3A] : memref<40x128xi32, #tpu.memory_space<vmem>> -> memref<1x128xi32, #tpu.memory_space<vmem>>
      %dma_wait3A_41 = tpu.memref_squeeze %dma_wait3A_40 : memref<1x128xi32, #tpu.memory_space<vmem>> -> memref<128xi32, #tpu.memory_space<vmem>>
      %dma_wait3A_42 = arith.constant 0 : i32
      %dma_wait3A_43 = arith.constant 0 : i32
      %dma_wait3A_44 = tpu.memref_slice %arg2[%dma_wait3A_42, %dma_wait3A_43] : memref<10000x128xf32, #tpu.memory_space<hbm>> -> memref<10000x128xf32, #tpu.memory_space<hbm>>
      tpu.wait_indirect_dma semaphore(%arg11 : memref<!tpu.dma_semaphore, #tpu.memory_space<semaphore_mem>>) src(%dma_wait3A_44 : memref<10000x128xf32, #tpu.memory_space<hbm>>) dst(%arg9 : memref<128x128xf32, #tpu.memory_space<vmem>>)
      "tpu.region"() ({
        %run_scoped3A = tpu.sem_alloc : memref<!tpu.dma_semaphore, #tpu.memory_space<semaphore_mem>>
        %dma_start3A_59 = arith.constant 0 : i32
        %dma_start3A_60 = tpu.memref_slice %arg8[%add3A_31, %dma_start3A_59] : memref<40x128xi32, #tpu.memory_space<vmem>> -> memref<1x128xi32, #tpu.memory_space<vmem>>
        %dma_start3A_61 = tpu.memref_squeeze %dma_start3A_60 : memref<1x128xi32, #tpu.memory_space<vmem>> -> memref<128xi32, #tpu.memory_space<vmem>>
        %dma_start3A_62 = arith.constant 0 : i32
        %dma_start3A_63 = arith.constant 0 : i32
        %dma_start3A_64 = tpu.memref_slice %arg13[%dma_start3A_62, %dma_start3A_63] : memref<10240x128xf32, #tpu.memory_space<vmem_shared>> -> memref<10240x128xf32, #tpu.memory_space<vmem_shared>>
        tpu.enqueue_indirect_dma source(%arg9 : memref<128x128xf32, #tpu.memory_space<vmem>>) target(%dma_start3A_64 : memref<10240x128xf32, #tpu.memory_space<vmem_shared>>) offsets(%dma_start3A_61 : memref<128xi32, #tpu.memory_space<vmem>>) semaphore(%run_scoped3A : memref<!tpu.dma_semaphore, #tpu.memory_space<semaphore_mem>>) {add = true}
        %dma_wait3A_65 = arith.constant 0 : i32
        %dma_wait3A_66 = tpu.memref_slice %arg8[%add3A_31, %dma_wait3A_65] : memref<40x128xi32, #tpu.memory_space<vmem>> -> memref<1x128xi32, #tpu.memory_space<vmem>>
        %dma_wait3A_67 = tpu.memref_squeeze %dma_wait3A_66 : memref<1x128xi32, #tpu.memory_space<vmem>> -> memref<128xi32, #tpu.memory_space<vmem>>
        %dma_wait3A_68 = arith.constant 0 : i32
        %dma_wait3A_69 = arith.constant 0 : i32
        %dma_wait3A_70 = tpu.memref_slice %arg13[%dma_wait3A_68, %dma_wait3A_69] : memref<10240x128xf32, #tpu.memory_space<vmem_shared>> -> memref<10240x128xf32, #tpu.memory_space<vmem_shared>>
        tpu.wait_indirect_dma semaphore(%run_scoped3A : memref<!tpu.dma_semaphore, #tpu.memory_space<semaphore_mem>>) src(%arg9 : memref<128x128xf32, #tpu.memory_space<vmem>>) dst(%dma_wait3A_70 : memref<10240x128xf32, #tpu.memory_space<vmem_shared>>)
        tpu.yield
      }) : () -> ()
      %add3A_45 = arith.constant 2 : i32
      %add3A_46 = arith.addi %add3A_31, %add3A_45 : i32
      %lt3A = arith.constant 40 : i32
      %lt3A_47 = arith.cmpi slt, %add3A_46, %lt3A : i32
      %convert_element_type3A = arith.extui %lt3A_47 : i1 to i32
      %cond3A = arith.constant 0 : i32
      %cond3A_48 = arith.cmpi ne, %convert_element_type3A, %cond3A : i32
      scf.if %cond3A_48 {
        %add3A_59 = arith.constant 2 : i32
        %add3A_60 = arith.addi %add3A_31, %add3A_59 : i32
        %dma_start3A_61 = arith.constant 0 : i32
        %dma_start3A_62 = tpu.memref_slice %arg7[%add3A_60, %dma_start3A_61] : memref<40x128xi32, #tpu.memory_space<vmem>> -> memref<1x128xi32, #tpu.memory_space<vmem>>
        %dma_start3A_63 = tpu.memref_squeeze %dma_start3A_62 : memref<1x128xi32, #tpu.memory_space<vmem>> -> memref<128xi32, #tpu.memory_space<vmem>>
        %dma_start3A_64 = arith.constant 0 : i32
        %dma_start3A_65 = arith.constant 0 : i32
        %dma_start3A_66 = tpu.memref_slice %arg2[%dma_start3A_64, %dma_start3A_65] : memref<10000x128xf32, #tpu.memory_space<hbm>> -> memref<10000x128xf32, #tpu.memory_space<hbm>>
        tpu.enqueue_indirect_dma source(%dma_start3A_66 : memref<10000x128xf32, #tpu.memory_space<hbm>>) target(%arg9 : memref<128x128xf32, #tpu.memory_space<vmem>>) offsets(%dma_start3A_63 : memref<128xi32, #tpu.memory_space<vmem>>) semaphore(%arg11 : memref<!tpu.dma_semaphore, #tpu.memory_space<semaphore_mem>>)
      } else {
      }
      %add3A_49 = arith.constant 1 : i32
      %add3A_50 = arith.addi %add3A_31, %add3A_49 : i32
      %dma_wait3A_51 = arith.constant 0 : i32
      %dma_wait3A_52 = tpu.memref_slice %arg7[%add3A_50, %dma_wait3A_51] : memref<40x128xi32, #tpu.memory_space<vmem>> -> memref<1x128xi32, #tpu.memory_space<vmem>>
      %dma_wait3A_53 = tpu.memref_squeeze %dma_wait3A_52 : memref<1x128xi32, #tpu.memory_space<vmem>> -> memref<128xi32, #tpu.memory_space<vmem>>
      %dma_wait3A_54 = arith.constant 0 : i32
      %dma_wait3A_55 = arith.constant 0 : i32
      %dma_wait3A_56 = tpu.memref_slice %arg2[%dma_wait3A_54, %dma_wait3A_55] : memref<10000x128xf32, #tpu.memory_space<hbm>> -> memref<10000x128xf32, #tpu.memory_space<hbm>>
      tpu.wait_indirect_dma semaphore(%arg12 : memref<!tpu.dma_semaphore, #tpu.memory_space<semaphore_mem>>) src(%dma_wait3A_56 : memref<10000x128xf32, #tpu.memory_space<hbm>>) dst(%arg10 : memref<128x128xf32, #tpu.memory_space<vmem>>)
      %add3A_57 = arith.constant 1 : i32
      %add3A_58 = arith.addi %add3A_31, %add3A_57 : i32
      "tpu.region"() ({
        %run_scoped3A = tpu.sem_alloc : memref<!tpu.dma_semaphore, #tpu.memory_space<semaphore_mem>>
        %dma_start3A_59 = arith.constant 0 : i32
        %dma_start3A_60 = tpu.memref_slice %arg8[%add3A_58, %dma_start3A_59] : memref<40x128xi32, #tpu.memory_space<vmem>> -> memref<1x128xi32, #tpu.memory_space<vmem>>
        %dma_start3A_61 = tpu.memref_squeeze %dma_start3A_60 : memref<1x128xi32, #tpu.memory_space<vmem>> -> memref<128xi32, #tpu.memory_space<vmem>>
        %dma_start3A_62 = arith.constant 0 : i32
        %dma_start3A_63 = arith.constant 0 : i32
        %dma_start3A_64 = tpu.memref_slice %arg13[%dma_start3A_62, %dma_start3A_63] : memref<10240x128xf32, #tpu.memory_space<vmem_shared>> -> memref<10240x128xf32, #tpu.memory_space<vmem_shared>>
        tpu.enqueue_indirect_dma source(%arg10 : memref<128x128xf32, #tpu.memory_space<vmem>>) target(%dma_start3A_64 : memref<10240x128xf32, #tpu.memory_space<vmem_shared>>) offsets(%dma_start3A_61 : memref<128xi32, #tpu.memory_space<vmem>>) semaphore(%run_scoped3A : memref<!tpu.dma_semaphore, #tpu.memory_space<semaphore_mem>>) {add = true}
        %dma_wait3A_65 = arith.constant 0 : i32
        %dma_wait3A_66 = tpu.memref_slice %arg8[%add3A_58, %dma_wait3A_65] : memref<40x128xi32, #tpu.memory_space<vmem>> -> memref<1x128xi32, #tpu.memory_space<vmem>>
        %dma_wait3A_67 = tpu.memref_squeeze %dma_wait3A_66 : memref<1x128xi32, #tpu.memory_space<vmem>> -> memref<128xi32, #tpu.memory_space<vmem>>
        %dma_wait3A_68 = arith.constant 0 : i32
        %dma_wait3A_69 = arith.constant 0 : i32
        %dma_wait3A_70 = tpu.memref_slice %arg13[%dma_wait3A_68, %dma_wait3A_69] : memref<10240x128xf32, #tpu.memory_space<vmem_shared>> -> memref<10240x128xf32, #tpu.memory_space<vmem_shared>>
        tpu.wait_indirect_dma semaphore(%run_scoped3A : memref<!tpu.dma_semaphore, #tpu.memory_space<semaphore_mem>>) src(%arg10 : memref<128x128xf32, #tpu.memory_space<vmem>>) dst(%dma_wait3A_70 : memref<10240x128xf32, #tpu.memory_space<vmem_shared>>)
        tpu.yield
      }) : () -> ()
    }
    %scan3A_10 = arith.constant 20 : i32
    "tpu.region"() ({
      %run_scoped3A = tpu.sem_alloc : memref<!tpu.dma_semaphore, #tpu.memory_space<semaphore_mem>>
      %dma_start3A_28 = arith.constant 40 : i32
      %dma_start3A_29 = arith.constant 0 : i32
      %dma_start3A_30 = tpu.memref_slice %arg3[%arg0, %arg1, %dma_start3A_28, %dma_start3A_29] : memref<2x16x80x128xi32, #tpu.memory_space<hbm>> -> memref<1x1x40x128xi32, #tpu.memory_space<hbm>>
      %dma_start3A_31 = tpu.memref_squeeze %dma_start3A_30 : memref<1x1x40x128xi32, #tpu.memory_space<hbm>> -> memref<40x128xi32, #tpu.memory_space<hbm>>
      %dma_start3A_32 = arith.constant 40 : i32
      %dma_start3A_33 = arith.constant 0 : i32
      %dma_start3A_34 = tpu.memref_slice %arg3[%arg0, %arg1, %dma_start3A_32, %dma_start3A_33] : memref<2x16x80x128xi32, #tpu.memory_space<hbm>> -> memref<1x1x40x128xi32, #tpu.memory_space<hbm>>
      %dma_start3A_35 = tpu.memref_squeeze %dma_start3A_34 : memref<1x1x40x128xi32, #tpu.memory_space<hbm>> -> memref<40x128xi32, #tpu.memory_space<hbm>>
      tpu.enqueue_dma source(%dma_start3A_35 : memref<40x128xi32, #tpu.memory_space<hbm>>) target(%arg7 : memref<40x128xi32, #tpu.memory_space<vmem>>) target_semaphore(%run_scoped3A : memref<!tpu.dma_semaphore, #tpu.memory_space<semaphore_mem>>)
      %dma_wait3A = arith.constant 40 : i32
      %dma_wait3A_36 = arith.constant 0 : i32
      %dma_wait3A_37 = tpu.memref_slice %arg3[%arg0, %arg1, %dma_wait3A, %dma_wait3A_36] : memref<2x16x80x128xi32, #tpu.memory_space<hbm>> -> memref<1x1x40x128xi32, #tpu.memory_space<hbm>>
      %dma_wait3A_38 = tpu.memref_squeeze %dma_wait3A_37 : memref<1x1x40x128xi32, #tpu.memory_space<hbm>> -> memref<40x128xi32, #tpu.memory_space<hbm>>
      %dma_wait3A_39 = arith.constant 40 : i32
      %dma_wait3A_40 = arith.constant 0 : i32
      %dma_wait3A_41 = tpu.memref_slice %arg3[%arg0, %arg1, %dma_wait3A_39, %dma_wait3A_40] : memref<2x16x80x128xi32, #tpu.memory_space<hbm>> -> memref<1x1x40x128xi32, #tpu.memory_space<hbm>>
      %dma_wait3A_42 = tpu.memref_squeeze %dma_wait3A_41 : memref<1x1x40x128xi32, #tpu.memory_space<hbm>> -> memref<40x128xi32, #tpu.memory_space<hbm>>
      tpu.wait_dma2 semaphore(%run_scoped3A : memref<!tpu.dma_semaphore, #tpu.memory_space<semaphore_mem>>) src(%dma_wait3A_42 : memref<40x128xi32, #tpu.memory_space<hbm>>) dst(%arg7 : memref<40x128xi32, #tpu.memory_space<vmem>>)
      tpu.yield
    }) : () -> ()
    "tpu.region"() ({
      %run_scoped3A = tpu.sem_alloc : memref<!tpu.dma_semaphore, #tpu.memory_space<semaphore_mem>>
      %dma_start3A_28 = arith.constant 40 : i32
      %dma_start3A_29 = arith.constant 0 : i32
      %dma_start3A_30 = tpu.memref_slice %arg4[%arg0, %arg1, %dma_start3A_28, %dma_start3A_29] : memref<2x16x80x128xi32, #tpu.memory_space<hbm>> -> memref<1x1x40x128xi32, #tpu.memory_space<hbm>>
      %dma_start3A_31 = tpu.memref_squeeze %dma_start3A_30 : memref<1x1x40x128xi32, #tpu.memory_space<hbm>> -> memref<40x128xi32, #tpu.memory_space<hbm>>
      %dma_start3A_32 = arith.constant 40 : i32
      %dma_start3A_33 = arith.constant 0 : i32
      %dma_start3A_34 = tpu.memref_slice %arg4[%arg0, %arg1, %dma_start3A_32, %dma_start3A_33] : memref<2x16x80x128xi32, #tpu.memory_space<hbm>> -> memref<1x1x40x128xi32, #tpu.memory_space<hbm>>
      %dma_start3A_35 = tpu.memref_squeeze %dma_start3A_34 : memref<1x1x40x128xi32, #tpu.memory_space<hbm>> -> memref<40x128xi32, #tpu.memory_space<hbm>>
      tpu.enqueue_dma source(%dma_start3A_35 : memref<40x128xi32, #tpu.memory_space<hbm>>) target(%arg8 : memref<40x128xi32, #tpu.memory_space<vmem>>) target_semaphore(%run_scoped3A : memref<!tpu.dma_semaphore, #tpu.memory_space<semaphore_mem>>)
      %dma_wait3A = arith.constant 40 : i32
      %dma_wait3A_36 = arith.constant 0 : i32
      %dma_wait3A_37 = tpu.memref_slice %arg4[%arg0, %arg1, %dma_wait3A, %dma_wait3A_36] : memref<2x16x80x128xi32, #tpu.memory_space<hbm>> -> memref<1x1x40x128xi32, #tpu.memory_space<hbm>>
      %dma_wait3A_38 = tpu.memref_squeeze %dma_wait3A_37 : memref<1x1x40x128xi32, #tpu.memory_space<hbm>> -> memref<40x128xi32, #tpu.memory_space<hbm>>
      %dma_wait3A_39 = arith.constant 40 : i32
      %dma_wait3A_40 = arith.constant 0 : i32
      %dma_wait3A_41 = tpu.memref_slice %arg4[%arg0, %arg1, %dma_wait3A_39, %dma_wait3A_40] : memref<2x16x80x128xi32, #tpu.memory_space<hbm>> -> memref<1x1x40x128xi32, #tpu.memory_space<hbm>>
      %dma_wait3A_42 = tpu.memref_squeeze %dma_wait3A_41 : memref<1x1x40x128xi32, #tpu.memory_space<hbm>> -> memref<40x128xi32, #tpu.memory_space<hbm>>
      tpu.wait_dma2 semaphore(%run_scoped3A : memref<!tpu.dma_semaphore, #tpu.memory_space<semaphore_mem>>) src(%dma_wait3A_42 : memref<40x128xi32, #tpu.memory_space<hbm>>) dst(%arg8 : memref<40x128xi32, #tpu.memory_space<vmem>>)
      tpu.yield
    }) : () -> ()
    %dma_start3A_11 = arith.constant 0 : i32
    %dma_start3A_12 = arith.constant 0 : i32
    %dma_start3A_13 = tpu.memref_slice %arg7[%dma_start3A_11, %dma_start3A_12] : memref<40x128xi32, #tpu.memory_space<vmem>> -> memref<1x128xi32, #tpu.memory_space<vmem>>
    %dma_start3A_14 = tpu.memref_squeeze %dma_start3A_13 : memref<1x128xi32, #tpu.memory_space<vmem>> -> memref<128xi32, #tpu.memory_space<vmem>>
    %dma_start3A_15 = arith.constant 0 : i32
    %dma_start3A_16 = arith.constant 0 : i32
    %dma_start3A_17 = tpu.memref_slice %arg2[%dma_start3A_15, %dma_start3A_16] : memref<10000x128xf32, #tpu.memory_space<hbm>> -> memref<10000x128xf32, #tpu.memory_space<hbm>>
    tpu.enqueue_indirect_dma source(%dma_start3A_17 : memref<10000x128xf32, #tpu.memory_space<hbm>>) target(%arg9 : memref<128x128xf32, #tpu.memory_space<vmem>>) offsets(%dma_start3A_14 : memref<128xi32, #tpu.memory_space<vmem>>) semaphore(%arg11 : memref<!tpu.dma_semaphore, #tpu.memory_space<semaphore_mem>>)
    %scan3A_18 = arith.constant 0 : i32
    %scan3A_19 = arith.constant 20 : i32
    %scan3A_20 = arith.addi %scan3A_18, %scan3A_19 : i32
    %scan3A_21 = arith.constant 1 : i32
    scf.for %scan3A_28 = %scan3A_18 to %scan3A_20 step %scan3A_21  : i32 {
      %mul3A_29 = arith.constant 2 : i32
      %mul3A_30 = arith.muli %scan3A_28, %mul3A_29 : i32
      %add3A = arith.constant 0 : i32
      %add3A_31 = arith.addi %add3A, %mul3A_30 : i32
      %add3A_32 = arith.constant 1 : i32
      %add3A_33 = arith.addi %add3A_31, %add3A_32 : i32
      %dma_start3A_34 = arith.constant 0 : i32
      %dma_start3A_35 = tpu.memref_slice %arg7[%add3A_33, %dma_start3A_34] : memref<40x128xi32, #tpu.memory_space<vmem>> -> memref<1x128xi32, #tpu.memory_space<vmem>>
      %dma_start3A_36 = tpu.memref_squeeze %dma_start3A_35 : memref<1x128xi32, #tpu.memory_space<vmem>> -> memref<128xi32, #tpu.memory_space<vmem>>
      %dma_start3A_37 = arith.constant 0 : i32
      %dma_start3A_38 = arith.constant 0 : i32
      %dma_start3A_39 = tpu.memref_slice %arg2[%dma_start3A_37, %dma_start3A_38] : memref<10000x128xf32, #tpu.memory_space<hbm>> -> memref<10000x128xf32, #tpu.memory_space<hbm>>
      tpu.enqueue_indirect_dma source(%dma_start3A_39 : memref<10000x128xf32, #tpu.memory_space<hbm>>) target(%arg10 : memref<128x128xf32, #tpu.memory_space<vmem>>) offsets(%dma_start3A_36 : memref<128xi32, #tpu.memory_space<vmem>>) semaphore(%arg12 : memref<!tpu.dma_semaphore, #tpu.memory_space<semaphore_mem>>)
      %dma_wait3A = arith.constant 0 : i32
      %dma_wait3A_40 = tpu.memref_slice %arg7[%add3A_31, %dma_wait3A] : memref<40x128xi32, #tpu.memory_space<vmem>> -> memref<1x128xi32, #tpu.memory_space<vmem>>
      %dma_wait3A_41 = tpu.memref_squeeze %dma_wait3A_40 : memref<1x128xi32, #tpu.memory_space<vmem>> -> memref<128xi32, #tpu.memory_space<vmem>>
      %dma_wait3A_42 = arith.constant 0 : i32
      %dma_wait3A_43 = arith.constant 0 : i32
      %dma_wait3A_44 = tpu.memref_slice %arg2[%dma_wait3A_42, %dma_wait3A_43] : memref<10000x128xf32, #tpu.memory_space<hbm>> -> memref<10000x128xf32, #tpu.memory_space<hbm>>
      tpu.wait_indirect_dma semaphore(%arg11 : memref<!tpu.dma_semaphore, #tpu.memory_space<semaphore_mem>>) src(%dma_wait3A_44 : memref<10000x128xf32, #tpu.memory_space<hbm>>) dst(%arg9 : memref<128x128xf32, #tpu.memory_space<vmem>>)
      "tpu.region"() ({
        %run_scoped3A = tpu.sem_alloc : memref<!tpu.dma_semaphore, #tpu.memory_space<semaphore_mem>>
        %dma_start3A_59 = arith.constant 0 : i32
        %dma_start3A_60 = tpu.memref_slice %arg8[%add3A_31, %dma_start3A_59] : memref<40x128xi32, #tpu.memory_space<vmem>> -> memref<1x128xi32, #tpu.memory_space<vmem>>
        %dma_start3A_61 = tpu.memref_squeeze %dma_start3A_60 : memref<1x128xi32, #tpu.memory_space<vmem>> -> memref<128xi32, #tpu.memory_space<vmem>>
        %dma_start3A_62 = arith.constant 0 : i32
        %dma_start3A_63 = arith.constant 0 : i32
        %dma_start3A_64 = tpu.memref_slice %arg13[%dma_start3A_62, %dma_start3A_63] : memref<10240x128xf32, #tpu.memory_space<vmem_shared>> -> memref<10240x128xf32, #tpu.memory_space<vmem_shared>>
        tpu.enqueue_indirect_dma source(%arg9 : memref<128x128xf32, #tpu.memory_space<vmem>>) target(%dma_start3A_64 : memref<10240x128xf32, #tpu.memory_space<vmem_shared>>) offsets(%dma_start3A_61 : memref<128xi32, #tpu.memory_space<vmem>>) semaphore(%run_scoped3A : memref<!tpu.dma_semaphore, #tpu.memory_space<semaphore_mem>>) {add = true}
        %dma_wait3A_65 = arith.constant 0 : i32
        %dma_wait3A_66 = tpu.memref_slice %arg8[%add3A_31, %dma_wait3A_65] : memref<40x128xi32, #tpu.memory_space<vmem>> -> memref<1x128xi32, #tpu.memory_space<vmem>>
        %dma_wait3A_67 = tpu.memref_squeeze %dma_wait3A_66 : memref<1x128xi32, #tpu.memory_space<vmem>> -> memref<128xi32, #tpu.memory_space<vmem>>
        %dma_wait3A_68 = arith.constant 0 : i32
        %dma_wait3A_69 = arith.constant 0 : i32
        %dma_wait3A_70 = tpu.memref_slice %arg13[%dma_wait3A_68, %dma_wait3A_69] : memref<10240x128xf32, #tpu.memory_space<vmem_shared>> -> memref<10240x128xf32, #tpu.memory_space<vmem_shared>>
        tpu.wait_indirect_dma semaphore(%run_scoped3A : memref<!tpu.dma_semaphore, #tpu.memory_space<semaphore_mem>>) src(%arg9 : memref<128x128xf32, #tpu.memory_space<vmem>>) dst(%dma_wait3A_70 : memref<10240x128xf32, #tpu.memory_space<vmem_shared>>)
        tpu.yield
      }) : () -> ()
      %add3A_45 = arith.constant 2 : i32
      %add3A_46 = arith.addi %add3A_31, %add3A_45 : i32
      %lt3A = arith.constant 40 : i32
      %lt3A_47 = arith.cmpi slt, %add3A_46, %lt3A : i32
      %convert_element_type3A = arith.extui %lt3A_47 : i1 to i32
      %cond3A = arith.constant 0 : i32
      %cond3A_48 = arith.cmpi ne, %convert_element_type3A, %cond3A : i32
      scf.if %cond3A_48 {
        %add3A_59 = arith.constant 2 : i32
        %add3A_60 = arith.addi %add3A_31, %add3A_59 : i32
        %dma_start3A_61 = arith.constant 0 : i32
        %dma_start3A_62 = tpu.memref_slice %arg7[%add3A_60, %dma_start3A_61] : memref<40x128xi32, #tpu.memory_space<vmem>> -> memref<1x128xi32, #tpu.memory_space<vmem>>
        %dma_start3A_63 = tpu.memref_squeeze %dma_start3A_62 : memref<1x128xi32, #tpu.memory_space<vmem>> -> memref<128xi32, #tpu.memory_space<vmem>>
        %dma_start3A_64 = arith.constant 0 : i32
        %dma_start3A_65 = arith.constant 0 : i32
        %dma_start3A_66 = tpu.memref_slice %arg2[%dma_start3A_64, %dma_start3A_65] : memref<10000x128xf32, #tpu.memory_space<hbm>> -> memref<10000x128xf32, #tpu.memory_space<hbm>>
        tpu.enqueue_indirect_dma source(%dma_start3A_66 : memref<10000x128xf32, #tpu.memory_space<hbm>>) target(%arg9 : memref<128x128xf32, #tpu.memory_space<vmem>>) offsets(%dma_start3A_63 : memref<128xi32, #tpu.memory_space<vmem>>) semaphore(%arg11 : memref<!tpu.dma_semaphore, #tpu.memory_space<semaphore_mem>>)
      } else {
      }
      %add3A_49 = arith.constant 1 : i32
      %add3A_50 = arith.addi %add3A_31, %add3A_49 : i32
      %dma_wait3A_51 = arith.constant 0 : i32
      %dma_wait3A_52 = tpu.memref_slice %arg7[%add3A_50, %dma_wait3A_51] : memref<40x128xi32, #tpu.memory_space<vmem>> -> memref<1x128xi32, #tpu.memory_space<vmem>>
      %dma_wait3A_53 = tpu.memref_squeeze %dma_wait3A_52 : memref<1x128xi32, #tpu.memory_space<vmem>> -> memref<128xi32, #tpu.memory_space<vmem>>
      %dma_wait3A_54 = arith.constant 0 : i32
      %dma_wait3A_55 = arith.constant 0 : i32
      %dma_wait3A_56 = tpu.memref_slice %arg2[%dma_wait3A_54, %dma_wait3A_55] : memref<10000x128xf32, #tpu.memory_space<hbm>> -> memref<10000x128xf32, #tpu.memory_space<hbm>>
      tpu.wait_indirect_dma semaphore(%arg12 : memref<!tpu.dma_semaphore, #tpu.memory_space<semaphore_mem>>) src(%dma_wait3A_56 : memref<10000x128xf32, #tpu.memory_space<hbm>>) dst(%arg10 : memref<128x128xf32, #tpu.memory_space<vmem>>)
      %add3A_57 = arith.constant 1 : i32
      %add3A_58 = arith.addi %add3A_31, %add3A_57 : i32
      "tpu.region"() ({
        %run_scoped3A = tpu.sem_alloc : memref<!tpu.dma_semaphore, #tpu.memory_space<semaphore_mem>>
        %dma_start3A_59 = arith.constant 0 : i32
        %dma_start3A_60 = tpu.memref_slice %arg8[%add3A_58, %dma_start3A_59] : memref<40x128xi32, #tpu.memory_space<vmem>> -> memref<1x128xi32, #tpu.memory_space<vmem>>
        %dma_start3A_61 = tpu.memref_squeeze %dma_start3A_60 : memref<1x128xi32, #tpu.memory_space<vmem>> -> memref<128xi32, #tpu.memory_space<vmem>>
        %dma_start3A_62 = arith.constant 0 : i32
        %dma_start3A_63 = arith.constant 0 : i32
        %dma_start3A_64 = tpu.memref_slice %arg13[%dma_start3A_62, %dma_start3A_63] : memref<10240x128xf32, #tpu.memory_space<vmem_shared>> -> memref<10240x128xf32, #tpu.memory_space<vmem_shared>>
        tpu.enqueue_indirect_dma source(%arg10 : memref<128x128xf32, #tpu.memory_space<vmem>>) target(%dma_start3A_64 : memref<10240x128xf32, #tpu.memory_space<vmem_shared>>) offsets(%dma_start3A_61 : memref<128xi32, #tpu.memory_space<vmem>>) semaphore(%run_scoped3A : memref<!tpu.dma_semaphore, #tpu.memory_space<semaphore_mem>>) {add = true}
        %dma_wait3A_65 = arith.constant 0 : i32
        %dma_wait3A_66 = tpu.memref_slice %arg8[%add3A_58, %dma_wait3A_65] : memref<40x128xi32, #tpu.memory_space<vmem>> -> memref<1x128xi32, #tpu.memory_space<vmem>>
        %dma_wait3A_67 = tpu.memref_squeeze %dma_wait3A_66 : memref<1x128xi32, #tpu.memory_space<vmem>> -> memref<128xi32, #tpu.memory_space<vmem>>
        %dma_wait3A_68 = arith.constant 0 : i32
        %dma_wait3A_69 = arith.constant 0 : i32
        %dma_wait3A_70 = tpu.memref_slice %arg13[%dma_wait3A_68, %dma_wait3A_69] : memref<10240x128xf32, #tpu.memory_space<vmem_shared>> -> memref<10240x128xf32, #tpu.memory_space<vmem_shared>>
        tpu.wait_indirect_dma semaphore(%run_scoped3A : memref<!tpu.dma_semaphore, #tpu.memory_space<semaphore_mem>>) src(%arg10 : memref<128x128xf32, #tpu.memory_space<vmem>>) dst(%dma_wait3A_70 : memref<10240x128xf32, #tpu.memory_space<vmem_shared>>)
        tpu.yield
      }) : () -> ()
    }
    %scan3A_22 = arith.constant 20 : i32
    %barrier3A_23 = arith.constant 0 : index
    tpu.barrier barrier_id(%barrier3A_23)
    %mul3A_24 = arith.constant 640 : i32
    %mul3A_25 = arith.muli %arg1, %mul3A_24 : i32
    %mul3A_26 = arith.constant 640 : i32
    %mul3A_27 = arith.muli %arg1, %mul3A_26 : i32
    "tpu.region"() ({
      %run_scoped3A = tpu.sem_alloc : memref<!tpu.dma_semaphore, #tpu.memory_space<semaphore_mem>>
      %dma_start3A_28 = arith.constant 0 : i32
      %dma_start3A_29 = arith.constant 0 : i32
      %dma_start3A_30 = tpu.memref_slice %arg6[%arg0, %dma_start3A_28, %dma_start3A_29] : memref<2x10240x128xf32, #tpu.memory_space<hbm>> -> memref<1x10240x128xf32, #tpu.memory_space<hbm>>
      %dma_start3A_31 = tpu.memref_squeeze %dma_start3A_30 : memref<1x10240x128xf32, #tpu.memory_space<hbm>> -> memref<10240x128xf32, #tpu.memory_space<hbm>>
      %dma_start3A_32 = arith.constant 0 : i32
      %dma_start3A_33 = tpu.memref_slice %dma_start3A_31[%mul3A_27, %dma_start3A_32] : memref<10240x128xf32, #tpu.memory_space<hbm>> -> memref<640x128xf32, #tpu.memory_space<hbm>>
      %dma_start3A_34 = arith.constant 0 : i32
      %dma_start3A_35 = tpu.memref_slice %arg13[%mul3A_25, %dma_start3A_34] : memref<10240x128xf32, #tpu.memory_space<vmem_shared>> -> memref<640x128xf32, #tpu.memory_space<vmem_shared>>
      tpu.enqueue_dma source(%dma_start3A_35 : memref<640x128xf32, #tpu.memory_space<vmem_shared>>) target(%dma_start3A_33 : memref<640x128xf32, #tpu.memory_space<hbm>>) target_semaphore(%run_scoped3A : memref<!tpu.dma_semaphore, #tpu.memory_space<semaphore_mem>>)
      %dma_wait3A = arith.constant 0 : i32
      %dma_wait3A_36 = arith.constant 0 : i32
      %dma_wait3A_37 = tpu.memref_slice %arg6[%arg0, %dma_wait3A, %dma_wait3A_36] : memref<2x10240x128xf32, #tpu.memory_space<hbm>> -> memref<1x10240x128xf32, #tpu.memory_space<hbm>>
      %dma_wait3A_38 = tpu.memref_squeeze %dma_wait3A_37 : memref<1x10240x128xf32, #tpu.memory_space<hbm>> -> memref<10240x128xf32, #tpu.memory_space<hbm>>
      %dma_wait3A_39 = arith.constant 0 : i32
      %dma_wait3A_40 = tpu.memref_slice %dma_wait3A_38[%mul3A_27, %dma_wait3A_39] : memref<10240x128xf32, #tpu.memory_space<hbm>> -> memref<640x128xf32, #tpu.memory_space<hbm>>
      %dma_wait3A_41 = arith.constant 0 : i32
      %dma_wait3A_42 = tpu.memref_slice %arg13[%mul3A_25, %dma_wait3A_41] : memref<10240x128xf32, #tpu.memory_space<vmem_shared>> -> memref<640x128xf32, #tpu.memory_space<vmem_shared>>
      tpu.wait_dma2 semaphore(%run_scoped3A : memref<!tpu.dma_semaphore, #tpu.memory_space<semaphore_mem>>) src(%dma_wait3A_42 : memref<640x128xf32, #tpu.memory_space<vmem_shared>>) dst(%dma_wait3A_40 : memref<640x128xf32, #tpu.memory_space<hbm>>)
      tpu.yield
    }) : () -> ()
    return
  }
}

</mosaic_0001>

<sc_bundles>
// kernel: _segment_partials.3.cloned.1.call-start
scs
__scs_entry_jumppad:
0x0: {  	(pc) =	sbr.rel $0x88, $3  }
0x1: {  	(tag) =	ssettag $0x0;
	lr =	simm.s32 $0x1  }
0x2: {  	[smem:$0x3F9D] =	sst lr;
	_ =	strace $0xD0000000  }
0x3: {  	_ = 	snop  }
0x4: {  	_ = 	snop  }
0x5: {  	_ = 	snop  }
0x6: {  	_ = 	snop  }
0x7: {  	_ = 	snop  }
__scs_overlays_trampoline_lowered:
0x8: {  	[smem:$0x3FAC] =	sst s0  }
0x9: {  	[smem:$0x3FAD] =	sst s1  }
0xa: {  	[smem:$0x3FAE] =	sst s2  }
0xb: {  	[smem:$0x3FAF] =	sst s3  }
0xc: {  	[smem:$0x3FB0] =	sst s4  }
0xd: {  	[smem:$0x3FB1] =	sst s5  }
0xe: {  	[smem:$0x3FB2] =	sst s6  }
0xf: {  	[smem:$0x3FB3] =	sst s7  }
0x10: {  	[smem:$0x3FB4] =	sst s8  }
0x11: {  	[smem:$0x3FB5] =	sst s9;
	s0 =	simm.s32 @!p0 $0x0  }
0x12: {  	s1 =	sld [smem:$0x3F9B];
	s0 =	simm.s32 @p0 $0x1  }
0x13: {  	[smem:$0x3FB6] =	sst s0;
	s0 =	simm.s32 @!p1 $0x0  }
0x14: {  	s2 =	sld [smem:$0x3F9A];
	s0 =	simm.s32 @p1 $0x1  }
0x15: {  	[smem:$0x3FB7] =	sst s0;
	s0 =	simm.s32 @!p2 $0x0  }
0x16: {  	s3 =	sld [smem:$0x3FDB];
	s0 =	simm.s32 @p2 $0x1  }
0x17: {  	s4 =	simm.s32 $0x1BF5;
	[smem:$0x3FB9] =	sst s0  }
0x18: {  	s0 =	sld [smem:$0x3F9C];
	_ =	swait.ge [sflag:s4], $0x0  }
0x19: {  	s7 =	sld [smem:$0x3F9D]  }
0x1a: {  	s8 =	sadd.s32 $0xFFFFE003, lr  }
0x1b: {  	s9 =	sadd.s32 $0xFFFFFEF7, lr;
	s5 =	simm.s32 $0xFFFFFFFF;
	p2 =	slt.u32 s8, $0xFFFFF086  }
0x1c: {  	p1 =	slt.u32 s9, $0xF7A;
	s5 =	simm.s32 @!p2 $0x0  }
0x1d: {  	s5 =	simm.s32 @p1 $0x1;
	p0 =	seq.s32 s7, s2  }
0x1e: {  	s7 =	smul.u32 @!p0 $0xF7A, s2;
	p2 =	seq.s32 @!p0 s5, $0x0  }
0x1f: {  	s9 =	smul.u32 $0xF7A, s1;
	s8 =	simm.s32 @!p0 $0x1BF5;
	p2 =	por !p2, p0  }
0x20: {  	[sflag:s8] =	ssyncset.s32 @!p0 $0xFFFFF086;
	s6 =	sadd.s32 @!p0 s3, s7;
	s7 =	simm.s32 @!p0 $0x108  }
0x21: {  	s3 =	sadd.s32 s3, s9;
	s6 =	sadd.s32 @!p0 $0x88, s6;
	s7 =	simm.s32 @p2 $0x1082  }
0x22: {  	[simem:s7], [sflag:s8] =	dma.local @!p0 [hbm:s6], $0xF7A  }
0x23: {  	s9 =	sor.u32 $0xD0000000, s2;
	s6 =	simm.s32 $0x108;
	_ =	swait.ge @!p0 [sflag:s8], $0x0  }
0x24: {  	s3 =	sadd.s32 $0x88, s3;
	s6 =	simm.s32 @!p1 $0x1082;
	[sflag:s4] =	ssyncset.s32 $0xFFFFF086  }
0x25: {  	[simem:s6], [sflag:s4] =	dma.local [hbm:s3], $0xF7A  }
0x26: {  	[smem:$0x3F9D] =	sst s1;
	(tag) =	ssettag s2;
	_ =	strace s9  }
0x27: {  	s1 =	sld [smem:$0x3FAD]  }
0x28: {  	s2 =	sld [smem:$0x3FAE]  }
0x29: {  	s4 =	sld [smem:$0x3FB0]  }
0x2a: {  	p0 =	seq.s32 s5, $0x0;
	s5 =	sld [smem:$0x3FB1]  }
0x2b: {  	s6 =	sld [smem:$0x3FB2]  }
0x2c: {  	s7 =	sld [smem:$0x3FB3]  }
0x2d: {  	s3 =	simm.s32 $0x108;
	s8 =	sld [smem:$0x3FB4]  }
0x2e: {  	s3 =	simm.s32 @!p0 $0x1082;
	s9 =	sld [smem:$0x3FB5]  }
0x2f: {  	lr =	sadd.s32 s0, s3;
	s0 =	sld [smem:$0x3FAC]  }
0x30: {  	s3 =	sld [smem:$0x3FAF]  }
0x31: {  	[smem:$0x3FB8] =	sst s10  }
0x32: {  	s10 =	sld [smem:$0x3FB6];
	_ =	sdelay $0x3  }
0x33: {  	p0 =	seq.s32 s10, $0x1;
	s10 =	sld [smem:$0x3FB8];
	_ =	sdelay $0x3  }
0x34: {  	[smem:$0x3FB8] =	sst s10  }
0x35: {  	s10 =	sld [smem:$0x3FB7];
	_ =	sdelay $0x3  }
0x36: {  	p1 =	seq.s32 s10, $0x1;
	s10 =	sld [smem:$0x3FB8];
	_ =	sdelay $0x3  }
0x37: {  	[smem:$0x3FB8] =	sst s10  }
0x38: {  	s10 =	sld [smem:$0x3FB9]  }
0x39: {  	_ = 	snop;
	(pc) =	sbr.ind lr, $3  }
0x3a: {  	_ = 	snop  }
0x3b: {  	_ = 	snop  }
0x3c: {  	p2 =	seq.s32 s10, $0x1;
	s10 =	sld [smem:$0x3FB8]  }
0x3d: {  	_ =	shalt  }
0x3e: {  	_ =	shalt  }
0x3f: {  	_ =	shalt  }
0x40: {  	_ =	shalt  }
0x41: {  	_ =	shalt  }
0x42: {  	_ =	shalt  }
0x43: {  	_ =	shalt  }
0x44: {  	_ =	shalt  }
0x45: {  	_ =	shalt  }
0x46: {  	_ =	shalt  }
0x47: {  	_ =	shalt  }
0x48: {  	_ =	shalt  }
0x49: {  	_ =	shalt  }
0x4a: {  	_ =	shalt  }
0x4b: {  	_ =	shalt  }
0x4c: {  	_ =	shalt  }
0x4d: {  	_ =	shalt  }
0x4e: {  	_ =	shalt  }
0x4f: {  	_ =	shalt  }
0x50: {  	_ =	shalt  }
0x51: {  	_ =	shalt  }
0x52: {  	_ =	shalt  }
0x53: {  	_ =	shalt  }
0x54: {  	_ =	shalt  }
0x55: {  	_ =	shalt  }
0x56: {  	_ =	shalt  }
0x57: {  	_ =	shalt  }
0x58: {  	_ =	shalt  }
0x59: {  	_ =	shalt  }
0x5a: {  	_ =	shalt  }
0x5b: {  	_ =	shalt  }
0x5c: {  	_ =	shalt  }
0x5d: {  	_ =	shalt  }
0x5e: {  	_ =	shalt  }
0x5f: {  	_ =	shalt  }
0x60: {  	_ =	shalt  }
0x61: {  	_ =	shalt  }
0x62: {  	_ =	shalt  }
0x63: {  	_ =	shalt  }
0x64: {  	_ =	shalt  }
0x65: {  	_ =	shalt  }
0x66: {  	_ =	shalt  }
0x67: {  	_ =	shalt  }
0x68: {  	_ =	shalt  }
0x69: {  	_ =	shalt  }
0x6a: {  	_ =	shalt  }
0x6b: {  	_ =	shalt  }
0x6c: {  	_ =	shalt  }
0x6d: {  	_ =	shalt  }
0x6e: {  	_ =	shalt  }
0x6f: {  	_ =	shalt  }
0x70: {  	_ =	shalt  }
0x71: {  	_ =	shalt  }
0x72: {  	_ =	shalt  }
0x73: {  	_ =	shalt  }
0x74: {  	_ =	shalt  }
0x75: {  	_ =	shalt  }
0x76: {  	_ =	shalt  }
0x77: {  	_ =	shalt  }
0x78: {  	_ =	shalt  }
0x79: {  	_ =	shalt  }
0x7a: {  	_ =	shalt  }
0x7b: {  	_ =	shalt  }
0x7c: {  	_ =	shalt  }
0x7d: {  	_ =	shalt  }
0x7e: {  	_ =	shalt  }
0x7f: {  	_ =	shalt  }
0x80: {  	_ =	shalt  }
0x81: {  	_ =	shalt  }
0x82: {  	_ =	shalt  }
0x83: {  	_ =	shalt  }
0x84: {  	_ =	shalt  }
0x85: {  	_ =	shalt  }
0x86: {  	_ =	shalt  }
0x87: {  	_ =	shalt  }
.Lfunc_end0:
.L_simem_size_0:
called_computation_lowered:
.L_overlay_start_0:
0x88: {  	s2 =	sld [smem:$0x3FD9]  }
0x89: {  	s3 =	sld [smem:$0x3FFE];
	_ =	sdelay $0x1  }
0x8a: {  	s1 =	srdreg.scid  }
0x8b: {  	s0 =	sand.u32 $0x1, s1  }
0x8c: {  	s18 =	sshll.u32 s0, $0xA;
	s2 =	sadd.s32 s3, s2  }
0x8d: {  	s2 =	sadd.s32 s2, s18  }
0x8e: {  	[smem:$0x3FC4] =	sst s2  }
0x8f: {  	_ = 	snop  }
0x90: {  	s2 =	sld [smem:$0x3FC9]  }
0x91: {  	s19 =	sld [smem:$0x3FC8]  }
0x92: {  	s4 =	sld [smem:$0x3FC7]  }
0x93: {  	s5 =	sld [smem:$0x3FC6]  }
0x94: {  	s6 =	sld [smem:$0x3FD0];
	(tm) =	ssettm $0x1  }
0x95: {  	s7 =	sld [smem:$0x3FFB];
	_ =	sdelay $0x3  }
0x96: {  	_ =	strace s7  }
0x97: {  	s7 =	sld [smem:$0x3FFC];
	_ =	sdelay $0x3  }
0x98: {  	_ =	strace s7  }
0x99: {  	s7 =	sld [smem:$0x3FFD];
	_ =	sdelay $0x3  }
0x9a: {  	_ =	strace s7  }
0x9b: {  	_ =	strace $0x8FFFFFFF  }
0x9c: {  	s20 =	sld [smem:$0x3FDB];
	_ =	sdelay $0x1  }
0x9d: {  	s8 =	simm.s32 $_scs_section_size  }
0x9e: {  	s9 =	simm.s32 $_size__tile_overlayer_lowered;
	s10 =	simm.s32 $_tile_overlayer_lowered  }
0x9f: {  	s23 =	simm.s32 $0x1BFF;
	s22 =	sshll.u32 s10, $0x1;
	s7 =	sadd.s32 s8, s20  }
0xa0: {  	s11 =	simm.s32 $0x0;
	s21 =	sshll.u32 s9, $0x1;
	s9 =	sadd.s32 s22, s7  }
0xa1: {  	[timem:s11], [sflag:s23] =	dma.local [hbm:s9], s21  }
0xa2: {  	_ =	swait.ge [sflag:s23], s21  }
0xa3: {  	s8 =	ssub.s32 $0x0, s21;
	[sflag:s23] =	ssyncset.done $0x0  }
0xa4: {  	[sflag:s23] =	ssyncadd.s32 s8;
	_ =	sdelay $0x1  }
0xa5: {  	s24 =	simm.s32 $0x1B8B  }
0xa6: {  	_ =	swait.ge [sflag:s24], $0x1  }
0xa7: {  	[sflag:s24] =	ssyncset.done $0x0  }
0xa8: {  	s25 =	simm.s32 $0x1B8E;
	[sflag:s24] =	ssyncadd.s32 $0xFFFFFFFF  }
0xa9: {  	s26 =	simm.s32 $execute0_lowered;
	[smem:$0x3FD2] =	sst s25  }
0xaa: {  	s8 =	sshll.u32 s26, $0x1;
	_ =	strace $0x80000046;
	[dreg:$0x1] =	wrdreg $0xFFFFFFFF  }
0xab: {  	s28 =	simm.s32 $_size_execute0_lowered;
	s7 =	sadd.s32 s7, s8;
	[dreg:$0x0] =	wrdreg $0x0  }
0xac: {  	s8 =	sshll.u32 s28, $0x1;
	[dreg:$0x2] =	wrdreg s7  }
0xad: {  	[dreg:$0x3] =	wrdreg s8  }
0xae: {  	[dreg:$0x4] =	wrdreg $0xC0  }
0xaf: {  	_ =	task [dreg:s11], $0x5FFFF  }
0xb0: {  	[dreg:$0x1] =	wrdreg $0xFFFFFFFF  }
0xb1: {  	[dreg:$0x0] =	wrdreg $0x60  }
0xb2: {  	[dreg:$0x2] =	wrdreg s2  }
0xb3: {  	[dreg:$0x3] =	wrdreg s19  }
0xb4: {  	[dreg:$0x4] =	wrdreg s4  }
0xb5: {  	[dreg:$0x5] =	wrdreg s5  }
0xb6: {  	[dreg:$0x6] =	wrdreg s6  }
0xb7: {  	[dreg:$0x7] =	wrdreg $0xA8000  }
0xb8: {  	[dreg:$0x8] =	wrdreg $0x9  }
0xb9: {  	_ =	task.clear_ibuf [dreg:s11], $0x9FFFF;
	_ =	strace $0x90000046  }
0xba: {  	s29 =	simm.s32 $0x9;
	_ =	strace $0x80000048  }
0xbb: {  	_ =	swait.ge [sflag:s29], $0x1  }
0xbc: {  	[sflag:s29] =	ssyncadd.s32 $0xFFFFFFFF  }
0xbd: {  	_ =	strace $0x90000048  }
0xbe: {  	_ =	sfence  }
0xbf: {  	s30 =	sld [smem:$0x0];
	_ =	sdelay $0x2  }
0xc0: {  	s31 =	sshll.u32 s1, $0xD;
	s1 =	sshrl.u32 s1, $0x2  }
0xc1: {  	s3 =	sand.u32 $0x4000, s31;
	s1 =	sadd.s32 s1, s30  }
0xc2: {  	s0 =	sor.u32 s3, s0;
	s1 =	sshll.u32 s1, $0x11  }
0xc3: {  	s0 =	sor.u32 s1, s0  }
0xc4: {  	s0 =	sadd.s32 $0x8F2B, s0  }
0xc5: {  	[sflag:s0] =	ssyncadd.remote.s32 $0x1  }
0xc6: {  	_ =	sfence.sel $0xFFFF  }
0xc7: {  	[dreg:$0x0] =	wrdreg $0xFFFFFFFF;
	(pc) =	sbr.abs _section_cstart, $3  }
0xc8: {  	[dreg:$0x1] =	wrdreg $0xFFFFFFFF  }
0xc9: {  	_ =	task.clear_ibuf [dreg:s11], $0x2FFFF;
	_ =	strace $0x9FFFFFFF  }
0xca: {  	(tm) =	ssettm $0x7FFFFFFF  }
0xcb: {  	_ =	shalt  }
tec
execute0_lowered:
.L_overlay_start_1:
0x0: {  	(tag) =	ssettag $0x1  }
0x1: {  	s0 =	rddreg [dreg:$0x0]  }
0x2: {  	s9 =	rddreg [dreg:$0x1]  }
0x3: {  	s10 =	rddreg [dreg:$0x2]  }
0x4: {  	s2 =	rddreg [dreg:$0x3]  }
0x5: {  	s11 =	rddreg [dreg:$0x4];
	s3 =	srdreg.scid  }
0x6: {  	s1 =	stileid.u32;
	s4 =	rddreg [dreg:$0x5];
	s5 =	simm.s32 $0x0  }
0x7: {  	s16 =	simm.s32 $0x2800;
	s17 =	simm.s32 $0x6800;
	s18 =	simm.s32 $0x1  }
0x8: {  	s19 =	simm.s32 $0x2;
	s20 =	simm.s32 $0x1380;
	s21 =	simm.s32 $0x2700  }
0x9: {  	s6 =	sand.u32 $0x1, s3;
	s7 =	smul.u32 $0x50000, s1;
	s3 =	rddreg [dreg:$0x6]  }
0xa: {  	s22 =	simm.s32 $0x2780;
	[smem:$0x7FF] =	sst s5;
	s23 =	smul.u32 $0x2800, s1  }
0xb: {  	s30 =	sshll.u32 s1, $0x6;
	s12 =	smul.u32 $0x28000, s6;
	s6 =	ssub.s32 $0x2, s6  }
0xc: {  	_ =	strace $0x80000047;
	s8 =	sshrl.u32 s6, $0x1;
	s28 =	sshrl.u32 s7, $0x2  }
0xd: {  	s13 =	ssub.s32 s6, s8;
	s29 =	sadd.s32 s23, s12;
	s14 =	sadd.s32 s28, s4  }
0xe: {  	s6 =	sor.u32 $0x1C03, s30;
	s24 =	sadd.s32 s11, s12;
	s31 =	sshrl.u32 s29, $0x3  }
0xf: {  	s11 =	smax.u32 s13, $0x1;
	s12 =	sshrl.u32 s14, $0x3;
	s13 =	simm.s32 $0x3  }
0x10: {  	s14 =	simm.s32 $0x1400;
	s23 =	sadd.s32 s23, s24;
	s24 =	simm.s32 $0x0  }
0x11: {  	s7 =	sadd.s32 s9, s31;
	s15 =	sadd.s32 $0x280, s31;
	s8 =	sadd.s32 s10, s31  }
0x12: {  	s9 =	sadd.s32 s9, s15;
	s10 =	sadd.s32 s10, s15;
	s15 =	simm.s32 $0x80  }
.LBB2_1:
0x13: {  	[spmem:s12], [sflag:s6] =	dma.local [hbm:s2], $0x2800  }
0x14: {  	_ =	swait.ge [sflag:s13], $0x2800  }
0x15: {  	[sflag:s13] =	ssyncset.done $0x0  }
0x16: {  	[sflag:s13] =	ssyncadd.s32 $0xFFFFD800  }
0x17: {  	[bflag:$0x0] =	sbarrier.arrive $0xFFFF  }
0x18: {  	[tilespmem:s5], [sflag:$0x3] =	stream.linear.gather [hbm4b:s7+s5], $0x1400, $0x38;
	[tilespmem:$0x1E800] =	vst v63  }
0x19: {  	_ =	swait.ge [sflag:s13], $0x1400  }
0x1a: {  	[sflag:s13] =	ssyncset.done $0x0  }
0x1b: {  	[sflag:s13] =	ssyncadd.s32 $0xFFFFEC00  }
0x1c: {  	[tilespmem:s14], [sflag:$0x3] =	stream.linear.gather [hbm4b:s8+s5], $0x1400, $0x38;
	[tilespmem:$0x1E800] =	vst v63  }
0x1d: {  	_ =	swait.ge [sflag:s13], $0x1400  }
0x1e: {  	[sflag:s13] =	ssyncset.done $0x0  }
0x1f: {  	[sflag:s13] =	ssyncadd.s32 $0xFFFFEC00  }
0x20: {  	[tilespmem:s16], [sflag:$0x1] =	stream.indirect.gather [hbm4b:s0+s15], $0x80, s5, s15, $0xb8;
	[tilespmem:$0x1E800] =	vst v63  }
0x21: {  	s25 =	simm.s32 $0x80  }
0x22: {  	[tilespmem:s17], [sflag:$0x2] =	stream.indirect.gather [hbm4b:s0+s15], $0x80, s25, s15, $0xb8;
	[tilespmem:$0x1E800] =	vst v63  }
0x23: {  	_ =	swait.ge [sflag:s18], $0x4000  }
0x24: {  	[sflag:s18] =	ssyncset.done $0x0  }
0x25: {  	s29 =	simm.s32 $0x1400;
	[sflag:s18] =	ssyncadd.s32 $0xFFFFC000  }
0x26: {  	[spmem:s4] =	stream.indirect.scatter.add.f32 [tilespmem:s16], [sflag:$0x3], $0x80, s29, s15, $0xb8;
	[tilespmem:$0x1E800] =	vst v63  }
0x27: {  	_ =	swait.ge [sflag:s13], $0x4000  }
0x28: {  	[sflag:s13] =	ssyncset.done $0x0  }
0x29: {  	s30 =	simm.s32 $0x100;
	[sflag:s13] =	ssyncadd.s32 $0xFFFFC000  }
0x2a: {  	[tilespmem:s16], [sflag:$0x1] =	stream.indirect.gather [hbm4b:s0+s15], $0x80, s30, s15, $0xb8;
	[tilespmem:$0x1E800] =	vst v63  }
0x2b: {  	_ =	swait.ge [sflag:s19], $0x4000  }
0x2c: {  	[sflag:s19] =	ssyncset.done $0x0  }
0x2d: {  	s31 =	simm.s32 $0x1480;
	[sflag:s19] =	ssyncadd.s32 $0xFFFFC000  }
0x2e: {  	[spmem:s4] =	stream.indirect.scatter.add.f32 [tilespmem:s17], [sflag:$0x3], $0x80, s31, s15, $0xb8;
	[tilespmem:$0x1E800] =	vst v63  }
0x2f: {  	_ =	swait.ge [sflag:s13], $0x4000  }
0x30: {  	s26 =	simm.s32 $0x800;
	s25 =	simm.s32 $0x100;
	[sflag:s13] =	ssyncset.done $0x0  }
.LBB2_2:
0x31: {  	s28 =	sadd.s32 $0x80, s25  }
0x32: {  	[sflag:s13] =	ssyncadd.s32 $0xFFFFC000;
	s29 =	smov.u32 s26;
	s30 =	sadd.s32 $0x400, s26  }
0x33: {  	[tilespmem:s17], [sflag:$0x2] =	stream.indirect.gather [hbm4b:s0+s15], $0x80, s28, s15, $0xb8;
	[tilespmem:$0x1E800] =	vst v63  }
0x34: {  	p0 =	sne.s32 s26, $0x4800;
	_ =	swait.ge [sflag:s18], $0x4000  }
0x35: {  	[sflag:s18] =	ssyncset.done $0x0  }
0x36: {  	s26 =	sadd.s32 $0x1400, s25;
	[sflag:s18] =	ssyncadd.s32 $0xFFFFC000  }
0x37: {  	[spmem:s4] =	stream.indirect.scatter.add.f32 [tilespmem:s16], [sflag:$0x3], $0x80, s26, s15, $0xb8;
	[tilespmem:$0x1E800] =	vst v63  }
0x38: {  	_ =	swait.ge [sflag:s13], $0x4000  }
0x39: {  	[sflag:s13] =	ssyncset.done $0x0  }
0x3a: {  	s26 =	sadd.s32 $0x100, s25;
	[sflag:s13] =	ssyncadd.s32 $0xFFFFC000  }
0x3b: {  	[tilespmem:s16], [sflag:$0x1] =	stream.indirect.gather [hbm4b:s0+s15], $0x80, s26, s15, $0xb8;
	[tilespmem:$0x1E800] =	vst v63  }
0x3c: {  	_ =	swait.ge [sflag:s19], $0x4000  }
.Ltmp0:
0x3d: {  	[sflag:s19] =	ssyncset.done $0x0;
	(pc) =	sbr.rel @p0 .LBB2_2-.Ltmp0, $4  }
0x3e: {  	s25 =	sadd.s32 $0x1480, s25;
	[sflag:s19] =	ssyncadd.s32 $0xFFFFC000  }
0x3f: {  	[spmem:s4] =	stream.indirect.scatter.add.f32 [tilespmem:s17], [sflag:$0x3], $0x80, s25, s15, $0xb8;
	[tilespmem:$0x1E800] =	vst v63  }
0x40: {  	_ =	swait.ge [sflag:s13], $0x4000  }
0x41: {  	s26 =	smov.u32 s30;
	s25 =	sshra.s32 s29, $0x2;
	[sflag:s13] =	ssyncset.done $0x0  }
0x42: {  	s26 =	sadd.s32 $0x80, s25;
	[sflag:s13] =	ssyncadd.s32 $0xFFFFC000  }
0x43: {  	[tilespmem:s17], [sflag:$0x2] =	stream.indirect.gather [hbm4b:s0+s15], $0x80, s26, s15, $0xb8;
	[tilespmem:$0x1E800] =	vst v63  }
0x44: {  	_ =	swait.ge [sflag:s18], $0x4000  }
0x45: {  	[sflag:s18] =	ssyncset.done $0x0  }
0x46: {  	s29 =	sadd.s32 $0x1400, s25;
	[sflag:s18] =	ssyncadd.s32 $0xFFFFC000  }
0x47: {  	[spmem:s4] =	stream.indirect.scatter.add.f32 [tilespmem:s16], [sflag:$0x3], $0x80, s29, s15, $0xb8;
	[tilespmem:$0x1E800] =	vst v63  }
0x48: {  	_ =	swait.ge [sflag:s13], $0x4000  }
0x49: {  	[sflag:s13] =	ssyncset.done $0x0  }
0x4a: {  	s30 =	sadd.s32 $0x100, s25;
	[sflag:s13] =	ssyncadd.s32 $0xFFFFC000  }
0x4b: {  	[tilespmem:s16], [sflag:$0x1] =	stream.indirect.gather [hbm4b:s0+s15], $0x80, s30, s15, $0xb8;
	[tilespmem:$0x1E800] =	vst v63  }
0x4c: {  	_ =	swait.ge [sflag:s19], $0x4000  }
0x4d: {  	[sflag:s19] =	ssyncset.done $0x0  }
0x4e: {  	s31 =	sadd.s32 $0x1480, s25;
	[sflag:s19] =	ssyncadd.s32 $0xFFFFC000  }
0x4f: {  	[spmem:s4] =	stream.indirect.scatter.add.f32 [tilespmem:s17], [sflag:$0x3], $0x80, s31, s15, $0xb8;
	[tilespmem:$0x1E800] =	vst v63  }
0x50: {  	_ =	swait.ge [sflag:s13], $0x4000  }
0x51: {  	[sflag:s13] =	ssyncset.done $0x0  }
0x52: {  	[sflag:s13] =	ssyncadd.s32 $0xFFFFC000  }
0x53: {  	[tilespmem:s17], [sflag:$0x2] =	stream.indirect.gather [hbm4b:s0+s15], $0x80, s20, s15, $0xb8;
	[tilespmem:$0x1E800] =	vst v63  }
0x54: {  	_ =	swait.ge [sflag:s18], $0x4000  }
0x55: {  	[sflag:s18] =	ssyncset.done $0x0  }
0x56: {  	[sflag:s18] =	ssyncadd.s32 $0xFFFFC000  }
0x57: {  	[spmem:s4] =	stream.indirect.scatter.add.f32 [tilespmem:s16], [sflag:$0x3], $0x80, s21, s15, $0xb8;
	[tilespmem:$0x1E800] =	vst v63  }
0x58: {  	_ =	swait.ge [sflag:s13], $0x4000  }
0x59: {  	[sflag:s13] =	ssyncset.done $0x0  }
0x5a: {  	[sflag:s13] =	ssyncadd.s32 $0xFFFFC000  }
0x5b: {  	_ =	swait.ge [sflag:s19], $0x4000  }
0x5c: {  	[sflag:s19] =	ssyncset.done $0x0  }
0x5d: {  	[sflag:s19] =	ssyncadd.s32 $0xFFFFC000  }
0x5e: {  	[spmem:s4] =	stream.indirect.scatter.add.f32 [tilespmem:s17], [sflag:$0x3], $0x80, s22, s15, $0xb8;
	[tilespmem:$0x1E800] =	vst v63  }
0x5f: {  	_ =	swait.ge [sflag:s13], $0x4000  }
0x60: {  	[sflag:s13] =	ssyncset.done $0x0  }
0x61: {  	s26 =	simm.s32 $0x0;
	[sflag:s13] =	ssyncadd.s32 $0xFFFFC000  }
0x62: {  	[tilespmem:s26], [sflag:$0x3] =	stream.linear.gather [hbm4b:s9+s26], $0x1400, $0x38;
	[tilespmem:$0x1E800] =	vst v63  }
0x63: {  	_ =	swait.ge [sflag:s13], $0x1400  }
0x64: {  	[sflag:s13] =	ssyncset.done $0x0  }
0x65: {  	[sflag:s13] =	ssyncadd.s32 $0xFFFFEC00  }
0x66: {  	[tilespmem:s14], [sflag:$0x3] =	stream.linear.gather [hbm4b:s10+s26], $0x1400, $0x38;
	[tilespmem:$0x1E800] =	vst v63  }
0x67: {  	_ =	swait.ge [sflag:s13], $0x1400  }
0x68: {  	[sflag:s13] =	ssyncset.done $0x0  }
0x69: {  	[sflag:s13] =	ssyncadd.s32 $0xFFFFEC00  }
0x6a: {  	[tilespmem:s16], [sflag:$0x1] =	stream.indirect.gather [hbm4b:s0+s15], $0x80, s26, s15, $0xb8;
	[tilespmem:$0x1E800] =	vst v63  }
0x6b: {  	s28 =	simm.s32 $0x80  }
0x6c: {  	[tilespmem:s17], [sflag:$0x2] =	stream.indirect.gather [hbm4b:s0+s15], $0x80, s28, s15, $0xb8;
	[tilespmem:$0x1E800] =	vst v63  }
0x6d: {  	_ =	swait.ge [sflag:s18], $0x4000  }
0x6e: {  	[sflag:s18] =	ssyncset.done $0x0  }
0x6f: {  	s29 =	simm.s32 $0x1400;
	[sflag:s18] =	ssyncadd.s32 $0xFFFFC000  }
0x70: {  	[spmem:s4] =	stream.indirect.scatter.add.f32 [tilespmem:s16], [sflag:$0x3], $0x80, s29, s15, $0xb8;
	[tilespmem:$0x1E800] =	vst v63  }
0x71: {  	_ =	swait.ge [sflag:s13], $0x4000  }
0x72: {  	[sflag:s13] =	ssyncset.done $0x0  }
0x73: {  	s30 =	simm.s32 $0x100;
	[sflag:s13] =	ssyncadd.s32 $0xFFFFC000  }
0x74: {  	[tilespmem:s16], [sflag:$0x1] =	stream.indirect.gather [hbm4b:s0+s15], $0x80, s30, s15, $0xb8;
	[tilespmem:$0x1E800] =	vst v63  }
0x75: {  	_ =	swait.ge [sflag:s19], $0x4000  }
0x76: {  	[sflag:s19] =	ssyncset.done $0x0  }
0x77: {  	s31 =	simm.s32 $0x1480;
	[sflag:s19] =	ssyncadd.s32 $0xFFFFC000  }
0x78: {  	[spmem:s4] =	stream.indirect.scatter.add.f32 [tilespmem:s17], [sflag:$0x3], $0x80, s31, s15, $0xb8;
	[tilespmem:$0x1E800] =	vst v63  }
0x79: {  	_ =	swait.ge [sflag:s13], $0x4000  }
0x7a: {  	s25 =	simm.s32 $0x100;
	s26 =	simm.s32 $0x800;
	[sflag:s13] =	ssyncset.done $0x0  }
.LBB2_4:
0x7b: {  	s28 =	sadd.s32 $0x80, s25  }
0x7c: {  	[sflag:s13] =	ssyncadd.s32 $0xFFFFC000;
	s29 =	smov.u32 s26;
	s30 =	sadd.s32 $0x400, s26  }
0x7d: {  	[tilespmem:s17], [sflag:$0x2] =	stream.indirect.gather [hbm4b:s0+s15], $0x80, s28, s15, $0xb8;
	[tilespmem:$0x1E800] =	vst v63  }
0x7e: {  	p0 =	sne.s32 s26, $0x4800;
	_ =	swait.ge [sflag:s18], $0x4000  }
0x7f: {  	[sflag:s18] =	ssyncset.done $0x0  }
0x80: {  	s26 =	sadd.s32 $0x1400, s25;
	[sflag:s18] =	ssyncadd.s32 $0xFFFFC000  }
0x81: {  	[spmem:s4] =	stream.indirect.scatter.add.f32 [tilespmem:s16], [sflag:$0x3], $0x80, s26, s15, $0xb8;
	[tilespmem:$0x1E800] =	vst v63  }
0x82: {  	_ =	swait.ge [sflag:s13], $0x4000  }
0x83: {  	[sflag:s13] =	ssyncset.done $0x0  }
0x84: {  	s26 =	sadd.s32 $0x100, s25;
	[sflag:s13] =	ssyncadd.s32 $0xFFFFC000  }
0x85: {  	[tilespmem:s16], [sflag:$0x1] =	stream.indirect.gather [hbm4b:s0+s15], $0x80, s26, s15, $0xb8;
	[tilespmem:$0x1E800] =	vst v63  }
0x86: {  	_ =	swait.ge [sflag:s19], $0x4000  }
.Ltmp1:
0x87: {  	[sflag:s19] =	ssyncset.done $0x0;
	(pc) =	sbr.rel @p0 .LBB2_4-.Ltmp1, $4  }
0x88: {  	s25 =	sadd.s32 $0x1480, s25;
	[sflag:s19] =	ssyncadd.s32 $0xFFFFC000  }
0x89: {  	[spmem:s4] =	stream.indirect.scatter.add.f32 [tilespmem:s17], [sflag:$0x3], $0x80, s25, s15, $0xb8;
	[tilespmem:$0x1E800] =	vst v63  }
0x8a: {  	_ =	swait.ge [sflag:s13], $0x4000  }
0x8b: {  	s26 =	smov.u32 s30;
	s25 =	sshra.s32 s29, $0x2;
	[sflag:s13] =	ssyncset.done $0x0  }
0x8c: {  	s26 =	sadd.s32 $0x80, s25;
	[sflag:s13] =	ssyncadd.s32 $0xFFFFC000  }
0x8d: {  	[tilespmem:s17], [sflag:$0x2] =	stream.indirect.gather [hbm4b:s0+s15], $0x80, s26, s15, $0xb8;
	[tilespmem:$0x1E800] =	vst v63  }
0x8e: {  	_ =	swait.ge [sflag:s18], $0x4000  }
0x8f: {  	[sflag:s18] =	ssyncset.done $0x0  }
0x90: {  	s29 =	sadd.s32 $0x1400, s25;
	[sflag:s18] =	ssyncadd.s32 $0xFFFFC000  }
0x91: {  	[spmem:s4] =	stream.indirect.scatter.add.f32 [tilespmem:s16], [sflag:$0x3], $0x80, s29, s15, $0xb8;
	[tilespmem:$0x1E800] =	vst v63  }
0x92: {  	_ =	swait.ge [sflag:s13], $0x4000  }
0x93: {  	[sflag:s13] =	ssyncset.done $0x0  }
0x94: {  	s30 =	sadd.s32 $0x100, s25;
	[sflag:s13] =	ssyncadd.s32 $0xFFFFC000  }
0x95: {  	[tilespmem:s16], [sflag:$0x1] =	stream.indirect.gather [hbm4b:s0+s15], $0x80, s30, s15, $0xb8;
	[tilespmem:$0x1E800] =	vst v63  }
0x96: {  	_ =	swait.ge [sflag:s19], $0x4000  }
0x97: {  	[sflag:s19] =	ssyncset.done $0x0  }
0x98: {  	s31 =	sadd.s32 $0x1480, s25;
	[sflag:s19] =	ssyncadd.s32 $0xFFFFC000  }
0x99: {  	[spmem:s4] =	stream.indirect.scatter.add.f32 [tilespmem:s17], [sflag:$0x3], $0x80, s31, s15, $0xb8;
	[tilespmem:$0x1E800] =	vst v63  }
0x9a: {  	_ =	swait.ge [sflag:s13], $0x4000  }
0x9b: {  	[sflag:s13] =	ssyncset.done $0x0  }
0x9c: {  	[sflag:s13] =	ssyncadd.s32 $0xFFFFC000  }
0x9d: {  	[tilespmem:s17], [sflag:$0x2] =	stream.indirect.gather [hbm4b:s0+s15], $0x80, s20, s15, $0xb8;
	[tilespmem:$0x1E800] =	vst v63  }
0x9e: {  	_ =	swait.ge [sflag:s18], $0x4000  }
0x9f: {  	[sflag:s18] =	ssyncset.done $0x0  }
0xa0: {  	[sflag:s18] =	ssyncadd.s32 $0xFFFFC000  }
0xa1: {  	[spmem:s4] =	stream.indirect.scatter.add.f32 [tilespmem:s16], [sflag:$0x3], $0x80, s21, s15, $0xb8;
	[tilespmem:$0x1E800] =	vst v63  }
0xa2: {  	_ =	swait.ge [sflag:s13], $0x4000  }
0xa3: {  	[sflag:s13] =	ssyncset.done $0x0  }
0xa4: {  	[sflag:s13] =	ssyncadd.s32 $0xFFFFC000  }
0xa5: {  	_ =	swait.ge [sflag:s19], $0x4000  }
0xa6: {  	[sflag:s19] =	ssyncset.done $0x0  }
0xa7: {  	[sflag:s19] =	ssyncadd.s32 $0xFFFFC000  }
0xa8: {  	[spmem:s4] =	stream.indirect.scatter.add.f32 [tilespmem:s17], [sflag:$0x3], $0x80, s22, s15, $0xb8;
	[tilespmem:$0x1E800] =	vst v63  }
0xa9: {  	_ =	swait.ge [sflag:s13], $0x4000  }
0xaa: {  	s24 =	sadd.s32 $0x1, s24;
	[sflag:s13] =	ssyncset.done $0x0  }
0xab: {  	p0 =	sne.s32 s24, s11;
	[sflag:s13] =	ssyncadd.s32 $0xFFFFC000  }
.Ltmp2:
0xac: {  	[bflag:$0x0] =	sbarrier.arrive $0xFFFF;
	(pc) =	sbr.rel @p0 .LBB2_1-.Ltmp2, $4  }
0xad: {  	[hbm:s23], [sflag:s6] =	dma.local [spmem:s12], $0x2800  }
0xae: {  	_ =	swait.ge [sflag:s13], $0x2800  }
0xaf: {  	[sflag:s13] =	ssyncset.done $0x0  }
0xb0: {  	[sflag:s13] =	ssyncadd.s32 $0xFFFFD800  }
0xb1: {  	_ =	sfence.sel $0x180000  }
0xb2: {  	[bflag:$0x0] =	sbarrier.arrive $0xFFFF  }
0xb3: {  	p0 =	sne.s32 s1, $0x0;
	_ =	strace $0x90000047  }
0xb4: {  	s0 =	sadd.s32 @!p0 $0x100000, s3;
	[bflag:$0x2] =	sbarrier.arrive $0xFFFF  }
0xb5: {  	[sflag:s0] =	ssyncadd.tile.s32 @!p0 $0x1;
	_ =	shalt  }
.Lfunc_end2:
_tile_overlayer_lowered:
.L_overlay_start_2:
0xb6: {  	(tag) =	ssettag $0x2  }
0xb7: {  	s0 =	rddreg [dreg:$0x0];
	s2 =	stileid.u32  }
0xb8: {  	s1 =	rddreg [dreg:$0x1];
	p0 =	sne.s32 s2, $0x0  }
0xb9: {  	s3 =	rddreg [dreg:$0x2];
	[bflag:$0x3] =	sbarrier.arrive $0xFFFF;
	s2 =	simm.s32 @!p0 $0x1C03  }
0xba: {  	[timem:s3], [sflag:s2] =	dma.local @!p0 [hbm:s0], s1  }
0xbb: {  	s0 =	simm.s32 @!p0 $0x3  }
0xbc: {  	_ =	swait.ge @!p0 [sflag:s0], s1  }
0xbd: {  	s1 =	ssub.s32 @!p0 $0x0, s1;
	[sflag:s0] =	ssyncset.done @!p0 $0x0  }
0xbe: {  	[sflag:s0] =	ssyncadd.s32 @!p0 s1  }
0xbf: {  	[bflag:$0x3] =	sbarrier.arrive $0xFFFF  }
0xc0: {  	_ =	shalt  }

</sc_bundles>
